<compile_context>
chip_gen: v7x
topology: tpu7x:2x2x1
jax: 0.10.2.dev20260603
libtpu: 0.0.44.dev20260713+nightly
codegen_flags: <defaults>
</compile_context>

<pallas_src>
import functools

import jax
import jax.numpy as jnp
from jax import lax
from jax.experimental import pallas as pl
from jax.experimental.pallas import tpu as pltpu
from jax.experimental.pallas import tpu_sc as plsc

B = 1024
D = 16
V = 100000
G = 128 * (D // 2)

_NC = 2
_NS = 16
_NW = _NC * _NS
_B_PER_W = B // _NW

_LB = 32768


def _regroup_kernel(in_ref, out_ref):
    x = in_ref[...]
    zz = x.reshape(D, _LB // 128, 128).transpose(1, 0, 2)
    u_lo = lax.bitcast_convert_type(zz[:, :D // 2, :], jnp.uint32)
    u_hi = lax.bitcast_convert_type(zz[:, D // 2:, :], jnp.uint32)
    packed = (((u_hi + 0x8000) & jnp.uint32(0xFFFF0000))
              | ((u_lo + 0x8000) >> 16))
    out_ref[...] = lax.bitcast_convert_type(packed, jnp.int32).reshape(
        _LB // 128, G)


def _regroup(w_in_t):
    grid = (V + _LB - 1) // _LB
    return pl.pallas_call(
        _regroup_kernel,
        grid=(grid,),
        in_specs=[pl.BlockSpec((D, _LB), lambda i: (0, i))],
        out_specs=pl.BlockSpec((_LB // 128, G), lambda i: (i, 0)),
        out_shape=jax.ShapeDtypeStruct((grid * _LB // 128, G), jnp.int32),
        compiler_params=pltpu.CompilerParams(
            dimension_semantics=("parallel",),
        ),
    )(w_in_t)


def _gather_rows(table, idx):
    mesh = plsc.VectorSubcoreMesh(core_axis_name="c", subcore_axis_name="s")

    @functools.partial(
        pl.kernel,
        mesh=mesh,
        out_type=jax.ShapeDtypeStruct((B, G), table.dtype),
        scratch_types=[
            pltpu.VMEM((_B_PER_W,), jnp.int32),
            pltpu.VMEM((_B_PER_W, G), table.dtype),
            pltpu.SemaphoreType.DMA,
        ],
    )
    def k(table_hbm, idx_hbm, out_hbm, idx_v, rows_v, sem):
        wid = lax.axis_index("s") * _NC + lax.axis_index("c")
        base = wid * _B_PER_W
        pltpu.sync_copy(idx_hbm.at[pl.ds(base, _B_PER_W)], idx_v)
        pltpu.async_copy(table_hbm.at[idx_v], rows_v, sem).wait()
        pltpu.sync_copy(rows_v, out_hbm.at[pl.ds(base, _B_PER_W)])

    return k(table, idx)


_VB = 2048


def _matmul_kernel(w_ref, g_ref, l_ref, out_ref, emb_ref):
    @pl.when(pl.program_id(0) == 0)
    def _():
        u = lax.bitcast_convert_type(g_ref[...], jnp.uint32)
        f_lo = lax.bitcast_convert_type(u << 16, jnp.float32)
        f_hi = lax.bitcast_convert_type(u & jnp.uint32(0xFFFF0000),
                                        jnp.float32)
        sel = lax.broadcasted_iota(jnp.int32, (B, 128), 1) == l_ref[...]
        parts = []
        for half in (f_lo, f_hi):
            for m in range(D // 2):
                picked = jnp.where(sel, half[:, m * 128:(m + 1) * 128], 0.0)
                parts.append(jnp.sum(picked, axis=1, keepdims=True))
        emb_ref[...] = jnp.concatenate(parts, axis=1).astype(jnp.bfloat16)

    out_ref[...] = lax.dot_general(
        w_ref[...].astype(jnp.bfloat16),
        emb_ref[...],
        dimension_numbers=(((0,), (1,)), ((), ())),
        preferred_element_type=jnp.float32,
    )


def _logits_t(w_out_t, rows, lane):
    grid = (V + _VB - 1) // _VB
    return pl.pallas_call(
        _matmul_kernel,
        grid=(grid,),
        in_specs=[
            pl.BlockSpec((D, _VB), lambda i: (0, i)),
            pl.BlockSpec((B, G), lambda i: (0, 0)),
            pl.BlockSpec((B, 1), lambda i: (0, 0)),
        ],
        out_specs=pl.BlockSpec((_VB, B), lambda i: (i, 0)),
        out_shape=jax.ShapeDtypeStruct((V, B), jnp.float32),
        scratch_shapes=[pltpu.VMEM((B, D), jnp.bfloat16)],
        compiler_params=pltpu.CompilerParams(
            dimension_semantics=("arbitrary",),
        ),
    )(w_out_t, rows, lane)


def kernel(x, W_in, W_out):
    idx = x.astype(jnp.int32)
    table = _regroup(W_in.T)
    rows = _gather_rows(table, idx >> 7)
    return _logits_t(W_out.T, rows, (idx & 127).reshape(B, 1)).T

# --- scband reference (transcript-rebuilt; emitter-appended) ---
"""Pipeline reference for scband-skip-gram-36146444763681 (READ-ONLY COPY).

The authoritative reference and input builder live on the scoring server;
editing this copy changes nothing except your own understanding.
"""

import jax, jax.numpy as jnp
import numpy as np

VOCAB = 100000
EMBED_DIM = 16
BATCH = 1024


def setup_inputs(seed: int = 0) -> dict:
    key = jax.random.key(seed)
    k1, k2, k3 = jax.random.split(key, 3)
    x = jax.random.randint(k1, (BATCH,), 0, VOCAB, dtype=jnp.int64)
    W_in = jax.random.normal(k2, (VOCAB, EMBED_DIM), dtype=jnp.float32) * 0.02
    W_out = jax.random.normal(k3, (VOCAB, EMBED_DIM), dtype=jnp.float32) * 0.02
    return {"x": x, "W_in": W_in, "W_out": W_out}


def reference(x, W_in, W_out):
    # embedding_in(x): gather rows from input embedding table
    emb = jnp.take(W_in, x, axis=0)  # [B, D]
    # matmul with output embedding table transposed -> logits over vocab
    out = jnp.matmul(emb, W_out.T)  # [B, V]
    return out

if __name__ == "__main__":
    import jax
    _d = setup_inputs()
    print(jax.jit(kernel)(*tuple(_d.values())))

</pallas_src>

<mosaic_0001>
#map = affine_map<(d0, d1) -> (0, 0)>
#map1 = affine_map<(d0, d1) -> (0)>
module attributes {stable_mosaic.version = 14 : i64} {
  func.func @k(%arg0: i32, %arg1: i32, %arg2: memref<1024x1024xi32, #tpu.memory_space<hbm>>, %arg3: memref<1024xi32, #tpu.memory_space<hbm>>, %arg4: memref<1024x1024xi32, #tpu.memory_space<hbm>>, %arg5: memref<32xi32, #tpu.memory_space<vmem>>, %arg6: memref<32x1024xi32, #tpu.memory_space<vmem>>, %arg7: memref<!tpu.dma_semaphore, #tpu.memory_space<semaphore_mem>>) attributes {dimension_semantics = [#tpu.dimension_semantics<core_parallel>, #tpu.dimension_semantics<subcore_parallel>], iteration_bounds = array<i64: 2, 16>, scalar_prefetch = 0 : i64, scratch_operands = 3 : i64, tpu.core_type = #tpu.core_type<sc_vector_subcore>, window_params = [{transform_indices = #map}, {transform_indices = #map1}, {transform_indices = #map}]} {
    %mul3A = arith.constant 2 : i32
    %mul3A_0 = arith.muli %arg1, %mul3A : i32
    %add3A = arith.addi %mul3A_0, %arg0 : i32
    %mul3A_1 = arith.constant 32 : i32
    %mul3A_2 = arith.muli %add3A, %mul3A_1 : i32
    "tpu.region"() ({
      %run_scoped3A = tpu.sem_alloc : memref<!tpu.dma_semaphore, #tpu.memory_space<semaphore_mem>>
      %dma_start3A_7 = tpu.memref_slice %arg3[%mul3A_2] : memref<1024xi32, #tpu.memory_space<hbm>> -> memref<32xi32, #tpu.memory_space<hbm>>
      %dma_start3A_8 = tpu.memref_slice %arg3[%mul3A_2] : memref<1024xi32, #tpu.memory_space<hbm>> -> memref<32xi32, #tpu.memory_space<hbm>>
      tpu.enqueue_dma source(%dma_start3A_8 : memref<32xi32, #tpu.memory_space<hbm>>) target(%arg5 : memref<32xi32, #tpu.memory_space<vmem>>) target_semaphore(%run_scoped3A : memref<!tpu.dma_semaphore, #tpu.memory_space<semaphore_mem>>)
      %dma_wait3A_9 = tpu.memref_slice %arg3[%mul3A_2] : memref<1024xi32, #tpu.memory_space<hbm>> -> memref<32xi32, #tpu.memory_space<hbm>>
      %dma_wait3A_10 = tpu.memref_slice %arg3[%mul3A_2] : memref<1024xi32, #tpu.memory_space<hbm>> -> memref<32xi32, #tpu.memory_space<hbm>>
      tpu.wait_dma2 semaphore(%run_scoped3A : memref<!tpu.dma_semaphore, #tpu.memory_space<semaphore_mem>>) src(%dma_wait3A_10 : memref<32xi32, #tpu.memory_space<hbm>>) dst(%arg5 : memref<32xi32, #tpu.memory_space<vmem>>)
      tpu.yield
    }) : () -> ()
    %dma_start3A = arith.constant 0 : i32
    %dma_start3A_3 = arith.constant 0 : i32
    %dma_start3A_4 = tpu.memref_slice %arg2[%dma_start3A, %dma_start3A_3] : memref<1024x1024xi32, #tpu.memory_space<hbm>> -> memref<1024x1024xi32, #tpu.memory_space<hbm>>
    tpu.enqueue_indirect_dma source(%dma_start3A_4 : memref<1024x1024xi32, #tpu.memory_space<hbm>>) target(%arg6 : memref<32x1024xi32, #tpu.memory_space<vmem>>) offsets(%arg5 : memref<32xi32, #tpu.memory_space<vmem>>) semaphore(%arg7 : memref<!tpu.dma_semaphore, #tpu.memory_space<semaphore_mem>>)
    %dma_wait3A = arith.constant 0 : i32
    %dma_wait3A_5 = arith.constant 0 : i32
    %dma_wait3A_6 = tpu.memref_slice %arg2[%dma_wait3A, %dma_wait3A_5] : memref<1024x1024xi32, #tpu.memory_space<hbm>> -> memref<1024x1024xi32, #tpu.memory_space<hbm>>
    tpu.wait_indirect_dma semaphore(%arg7 : memref<!tpu.dma_semaphore, #tpu.memory_space<semaphore_mem>>) src(%dma_wait3A_6 : memref<1024x1024xi32, #tpu.memory_space<hbm>>) dst(%arg6 : memref<32x1024xi32, #tpu.memory_space<vmem>>)
    "tpu.region"() ({
      %run_scoped3A = tpu.sem_alloc : memref<!tpu.dma_semaphore, #tpu.memory_space<semaphore_mem>>
      %dma_start3A_7 = arith.constant 0 : i32
      %dma_start3A_8 = tpu.memref_slice %arg4[%mul3A_2, %dma_start3A_7] : memref<1024x1024xi32, #tpu.memory_space<hbm>> -> memref<32x1024xi32, #tpu.memory_space<hbm>>
      %dma_start3A_9 = arith.constant 0 : i32
      %dma_start3A_10 = tpu.memref_slice %arg4[%mul3A_2, %dma_start3A_9] : memref<1024x1024xi32, #tpu.memory_space<hbm>> -> memref<32x1024xi32, #tpu.memory_space<hbm>>
      tpu.enqueue_dma source(%arg6 : memref<32x1024xi32, #tpu.memory_space<vmem>>) target(%dma_start3A_10 : memref<32x1024xi32, #tpu.memory_space<hbm>>) target_semaphore(%run_scoped3A : memref<!tpu.dma_semaphore, #tpu.memory_space<semaphore_mem>>)
      %dma_wait3A_11 = arith.constant 0 : i32
      %dma_wait3A_12 = tpu.memref_slice %arg4[%mul3A_2, %dma_wait3A_11] : memref<1024x1024xi32, #tpu.memory_space<hbm>> -> memref<32x1024xi32, #tpu.memory_space<hbm>>
      %dma_wait3A_13 = arith.constant 0 : i32
      %dma_wait3A_14 = tpu.memref_slice %arg4[%mul3A_2, %dma_wait3A_13] : memref<1024x1024xi32, #tpu.memory_space<hbm>> -> memref<32x1024xi32, #tpu.memory_space<hbm>>
      tpu.wait_dma2 semaphore(%run_scoped3A : memref<!tpu.dma_semaphore, #tpu.memory_space<semaphore_mem>>) src(%arg6 : memref<32x1024xi32, #tpu.memory_space<vmem>>) dst(%dma_wait3A_14 : memref<32x1024xi32, #tpu.memory_space<hbm>>)
      tpu.yield
    }) : () -> ()
    return
  }
}

module attributes {stable_mosaic.version = 14 : i64} {
  func.func @_matmul_kernel(%arg0: i32, %arg1: memref<16x2048xf32, #tpu.memory_space<vmem>>, %arg2: memref<1024x1024xi32, #tpu.memory_space<vmem>>, %arg3: memref<1024x1xi32, #tpu.memory_space<vmem>>, %arg4: memref<2048x1024xf32, #tpu.memory_space<vmem>>, %arg5: memref<1024x16xbf16, #tpu.memory_space<vmem>>) attributes {dimension_semantics = [#tpu.dimension_semantics<arbitrary>], iteration_bounds = array<i64: 49>, scalar_prefetch = 0 : i64, scratch_operands = 1 : i64, tpu.core_type = #tpu.core_type<tc>, window_params = [{transform_indices = @transform_0, window_bounds = array<i64: 16, 2048>}, {pipeline_mode = #tpu.pipeline_mode<synchronous>, transform_indices = @transform_1, window_bounds = array<i64: 1024, 1024>}, {pipeline_mode = #tpu.pipeline_mode<synchronous>, transform_indices = @transform_2, window_bounds = array<i64: 1024, 1>}, {transform_indices = @transform_3, window_bounds = array<i64: 2048, 1024>}]} {
    %eq3A = arith.constant 0 : i32
    %eq3A_0 = arith.cmpi eq, %arg0, %eq3A : i32
    %convert_element_type3A = arith.extui %eq3A_0 : i1 to i32
    %cond3A = arith.constant 0 : i32
    %cond3A_1 = arith.cmpi ne, %convert_element_type3A, %cond3A : i32
    scf.if %cond3A_1 {
      %get3A_11 = arith.constant 0 : index
      %get3A_12 = arith.constant 0 : index
      %get3A_13 = vector.load %arg2[%get3A_11, %get3A_12] : memref<1024x1024xi32, #tpu.memory_space<vmem>>, vector<1024x1024xi32>
      %bitcast_convert_type3A = tpu.bitcast %get3A_13 : vector<1024x1024xi32> -> vector<1024x1024xi32>
      %shift_left3A = arith.constant 16 : i32
      %shift_left3A_14 = vector.broadcast %shift_left3A : i32 to vector<1024x1024xi32>
      %shift_left3A_15 = arith.shli %bitcast_convert_type3A, %shift_left3A_14 : vector<1024x1024xi32>
      %bitcast_convert_type3A_16 = tpu.bitcast %shift_left3A_15 : vector<1024x1024xi32> -> vector<1024x1024xf32>
      %and3A = arith.constant -65536 : i32
      %and3A_17 = vector.broadcast %and3A : i32 to vector<1024x1024xi32>
      %and3A_18 = arith.andi %bitcast_convert_type3A, %and3A_17 : vector<1024x1024xi32>
      %bitcast_convert_type3A_19 = tpu.bitcast %and3A_18 : vector<1024x1024xi32> -> vector<1024x1024xf32>
      %iota3A = tpu.iota {dimensions = array<i32: 1>} : vector<1024x128xi32>
      %get3A_20 = arith.constant 0 : index
      %get3A_21 = arith.constant 0 : index
      %get3A_22 = vector.load %arg3[%get3A_20, %get3A_21] : memref<1024x1xi32, #tpu.memory_space<vmem>>, vector<1024x1xi32>
      %eq3A_23 = vector.broadcast %get3A_22 : vector<1024x1xi32> to vector<1024x128xi32>
      %eq3A_24 = arith.cmpi eq, %iota3A, %eq3A_23 : vector<1024x128xi32>
      %slice3A = vector.extract_strided_slice %bitcast_convert_type3A_16 {offsets = [0, 0], sizes = [1024, 128], strides = [1, 1]} : vector<1024x1024xf32> to vector<1024x128xf32>
      %jit3A = arith.constant 0.000000e+00 : f32
      %broadcast_in_dim3A = vector.broadcast %jit3A : f32 to vector<1024x128xf32>
      %select_n3A = arith.select %eq3A_24, %slice3A, %broadcast_in_dim3A : vector<1024x128xi1>, vector<1024x128xf32>
      %reduce_sum3A = arith.constant dense<0.000000e+00> : vector<1024xf32>
      %reduce_sum3A_25 = vector.multi_reduction <add>, %select_n3A, %reduce_sum3A [1] : vector<1024x128xf32> to vector<1024xf32>
      %broadcast_in_dim3A_26 = vector.shape_cast %reduce_sum3A_25 : vector<1024xf32> to vector<1024x1xf32>
      %slice3A_27 = vector.extract_strided_slice %bitcast_convert_type3A_16 {offsets = [0, 128], sizes = [1024, 128], strides = [1, 1]} : vector<1024x1024xf32> to vector<1024x128xf32>
      %jit3A_28 = arith.constant 0.000000e+00 : f32
      %broadcast_in_dim3A_29 = vector.broadcast %jit3A_28 : f32 to vector<1024x128xf32>
      %select_n3A_30 = arith.select %eq3A_24, %slice3A_27, %broadcast_in_dim3A_29 : vector<1024x128xi1>, vector<1024x128xf32>
      %reduce_sum3A_31 = arith.constant dense<0.000000e+00> : vector<1024xf32>
      %reduce_sum3A_32 = vector.multi_reduction <add>, %select_n3A_30, %reduce_sum3A_31 [1] : vector<1024x128xf32> to vector<1024xf32>
      %broadcast_in_dim3A_33 = vector.shape_cast %reduce_sum3A_32 : vector<1024xf32> to vector<1024x1xf32>
      %slice3A_34 = vector.extract_strided_slice %bitcast_convert_type3A_16 {offsets = [0, 256], sizes = [1024, 128], strides = [1, 1]} : vector<1024x1024xf32> to vector<1024x128xf32>
      %jit3A_35 = arith.constant 0.000000e+00 : f32
      %broadcast_in_dim3A_36 = vector.broadcast %jit3A_35 : f32 to vector<1024x128xf32>
      %select_n3A_37 = arith.select %eq3A_24, %slice3A_34, %broadcast_in_dim3A_36 : vector<1024x128xi1>, vector<1024x128xf32>
      %reduce_sum3A_38 = arith.constant dense<0.000000e+00> : vector<1024xf32>
      %reduce_sum3A_39 = vector.multi_reduction <add>, %select_n3A_37, %reduce_sum3A_38 [1] : vector<1024x128xf32> to vector<1024xf32>
      %broadcast_in_dim3A_40 = vector.shape_cast %reduce_sum3A_39 : vector<1024xf32> to vector<1024x1xf32>
      %slice3A_41 = vector.extract_strided_slice %bitcast_convert_type3A_16 {offsets = [0, 384], sizes = [1024, 128], strides = [1, 1]} : vector<1024x1024xf32> to vector<1024x128xf32>
      %jit3A_42 = arith.constant 0.000000e+00 : f32
      %broadcast_in_dim3A_43 = vector.broadcast %jit3A_42 : f32 to vector<1024x128xf32>
      %select_n3A_44 = arith.select %eq3A_24, %slice3A_41, %broadcast_in_dim3A_43 : vector<1024x128xi1>, vector<1024x128xf32>
      %reduce_sum3A_45 = arith.constant dense<0.000000e+00> : vector<1024xf32>
      %reduce_sum3A_46 = vector.multi_reduction <add>, %select_n3A_44, %reduce_sum3A_45 [1] : vector<1024x128xf32> to vector<1024xf32>
      %broadcast_in_dim3A_47 = vector.shape_cast %reduce_sum3A_46 : vector<1024xf32> to vector<1024x1xf32>
      %slice3A_48 = vector.extract_strided_slice %bitcast_convert_type3A_16 {offsets = [0, 512], sizes = [1024, 128], strides = [1, 1]} : vector<1024x1024xf32> to vector<1024x128xf32>
      %jit3A_49 = arith.constant 0.000000e+00 : f32
      %broadcast_in_dim3A_50 = vector.broadcast %jit3A_49 : f32 to vector<1024x128xf32>
      %select_n3A_51 = arith.select %eq3A_24, %slice3A_48, %broadcast_in_dim3A_50 : vector<1024x128xi1>, vector<1024x128xf32>
      %reduce_sum3A_52 = arith.constant dense<0.000000e+00> : vector<1024xf32>
      %reduce_sum3A_53 = vector.multi_reduction <add>, %select_n3A_51, %reduce_sum3A_52 [1] : vector<1024x128xf32> to vector<1024xf32>
      %broadcast_in_dim3A_54 = vector.shape_cast %reduce_sum3A_53 : vector<1024xf32> to vector<1024x1xf32>
      %slice3A_55 = vector.extract_strided_slice %bitcast_convert_type3A_16 {offsets = [0, 640], sizes = [1024, 128], strides = [1, 1]} : vector<1024x1024xf32> to vector<1024x128xf32>
      %jit3A_56 = arith.constant 0.000000e+00 : f32
      %broadcast_in_dim3A_57 = vector.broadcast %jit3A_56 : f32 to vector<1024x128xf32>
      %select_n3A_58 = arith.select %eq3A_24, %slice3A_55, %broadcast_in_dim3A_57 : vector<1024x128xi1>, vector<1024x128xf32>
      %reduce_sum3A_59 = arith.constant dense<0.000000e+00> : vector<1024xf32>
      %reduce_sum3A_60 = vector.multi_reduction <add>, %select_n3A_58, %reduce_sum3A_59 [1] : vector<1024x128xf32> to vector<1024xf32>
      %broadcast_in_dim3A_61 = vector.shape_cast %reduce_sum3A_60 : vector<1024xf32> to vector<1024x1xf32>
      %slice3A_62 = vector.extract_strided_slice %bitcast_convert_type3A_16 {offsets = [0, 768], sizes = [1024, 128], strides = [1, 1]} : vector<1024x1024xf32> to vector<1024x128xf32>
      %jit3A_63 = arith.constant 0.000000e+00 : f32
      %broadcast_in_dim3A_64 = vector.broadcast %jit3A_63 : f32 to vector<1024x128xf32>
      %select_n3A_65 = arith.select %eq3A_24, %slice3A_62, %broadcast_in_dim3A_64 : vector<1024x128xi1>, vector<1024x128xf32>
      %reduce_sum3A_66 = arith.constant dense<0.000000e+00> : vector<1024xf32>
      %reduce_sum3A_67 = vector.multi_reduction <add>, %select_n3A_65, %reduce_sum3A_66 [1] : vector<1024x128xf32> to vector<1024xf32>
      %broadcast_in_dim3A_68 = vector.shape_cast %reduce_sum3A_67 : vector<1024xf32> to vector<1024x1xf32>
      %slice3A_69 = vector.extract_strided_slice %bitcast_convert_type3A_16 {offsets = [0, 896], sizes = [1024, 128], strides = [1, 1]} : vector<1024x1024xf32> to vector<1024x128xf32>
      %jit3A_70 = arith.constant 0.000000e+00 : f32
      %broadcast_in_dim3A_71 = vector.broadcast %jit3A_70 : f32 to vector<1024x128xf32>
      %select_n3A_72 = arith.select %eq3A_24, %slice3A_69, %broadcast_in_dim3A_71 : vector<1024x128xi1>, vector<1024x128xf32>
      %reduce_sum3A_73 = arith.constant dense<0.000000e+00> : vector<1024xf32>
      %reduce_sum3A_74 = vector.multi_reduction <add>, %select_n3A_72, %reduce_sum3A_73 [1] : vector<1024x128xf32> to vector<1024xf32>
      %broadcast_in_dim3A_75 = vector.shape_cast %reduce_sum3A_74 : vector<1024xf32> to vector<1024x1xf32>
      %slice3A_76 = vector.extract_strided_slice %bitcast_convert_type3A_19 {offsets = [0, 0], sizes = [1024, 128], strides = [1, 1]} : vector<1024x1024xf32> to vector<1024x128xf32>
      %jit3A_77 = arith.constant 0.000000e+00 : f32
      %broadcast_in_dim3A_78 = vector.broadcast %jit3A_77 : f32 to vector<1024x128xf32>
      %select_n3A_79 = arith.select %eq3A_24, %slice3A_76, %broadcast_in_dim3A_78 : vector<1024x128xi1>, vector<1024x128xf32>
      %reduce_sum3A_80 = arith.constant dense<0.000000e+00> : vector<1024xf32>
      %reduce_sum3A_81 = vector.multi_reduction <add>, %select_n3A_79, %reduce_sum3A_80 [1] : vector<1024x128xf32> to vector<1024xf32>
      %broadcast_in_dim3A_82 = vector.shape_cast %reduce_sum3A_81 : vector<1024xf32> to vector<1024x1xf32>
      %slice3A_83 = vector.extract_strided_slice %bitcast_convert_type3A_19 {offsets = [0, 128], sizes = [1024, 128], strides = [1, 1]} : vector<1024x1024xf32> to vector<1024x128xf32>
      %jit3A_84 = arith.constant 0.000000e+00 : f32
      %broadcast_in_dim3A_85 = vector.broadcast %jit3A_84 : f32 to vector<1024x128xf32>
      %select_n3A_86 = arith.select %eq3A_24, %slice3A_83, %broadcast_in_dim3A_85 : vector<1024x128xi1>, vector<1024x128xf32>
      %reduce_sum3A_87 = arith.constant dense<0.000000e+00> : vector<1024xf32>
      %reduce_sum3A_88 = vector.multi_reduction <add>, %select_n3A_86, %reduce_sum3A_87 [1] : vector<1024x128xf32> to vector<1024xf32>
      %broadcast_in_dim3A_89 = vector.shape_cast %reduce_sum3A_88 : vector<1024xf32> to vector<1024x1xf32>
      %slice3A_90 = vector.extract_strided_slice %bitcast_convert_type3A_19 {offsets = [0, 256], sizes = [1024, 128], strides = [1, 1]} : vector<1024x1024xf32> to vector<1024x128xf32>
      %jit3A_91 = arith.constant 0.000000e+00 : f32
      %broadcast_in_dim3A_92 = vector.broadcast %jit3A_91 : f32 to vector<1024x128xf32>
      %select_n3A_93 = arith.select %eq3A_24, %slice3A_90, %broadcast_in_dim3A_92 : vector<1024x128xi1>, vector<1024x128xf32>
      %reduce_sum3A_94 = arith.constant dense<0.000000e+00> : vector<1024xf32>
      %reduce_sum3A_95 = vector.multi_reduction <add>, %select_n3A_93, %reduce_sum3A_94 [1] : vector<1024x128xf32> to vector<1024xf32>
      %broadcast_in_dim3A_96 = vector.shape_cast %reduce_sum3A_95 : vector<1024xf32> to vector<1024x1xf32>
      %slice3A_97 = vector.extract_strided_slice %bitcast_convert_type3A_19 {offsets = [0, 384], sizes = [1024, 128], strides = [1, 1]} : vector<1024x1024xf32> to vector<1024x128xf32>
      %jit3A_98 = arith.constant 0.000000e+00 : f32
      %broadcast_in_dim3A_99 = vector.broadcast %jit3A_98 : f32 to vector<1024x128xf32>
      %select_n3A_100 = arith.select %eq3A_24, %slice3A_97, %broadcast_in_dim3A_99 : vector<1024x128xi1>, vector<1024x128xf32>
      %reduce_sum3A_101 = arith.constant dense<0.000000e+00> : vector<1024xf32>
      %reduce_sum3A_102 = vector.multi_reduction <add>, %select_n3A_100, %reduce_sum3A_101 [1] : vector<1024x128xf32> to vector<1024xf32>
      %broadcast_in_dim3A_103 = vector.shape_cast %reduce_sum3A_102 : vector<1024xf32> to vector<1024x1xf32>
      %slice3A_104 = vector.extract_strided_slice %bitcast_convert_type3A_19 {offsets = [0, 512], sizes = [1024, 128], strides = [1, 1]} : vector<1024x1024xf32> to vector<1024x128xf32>
      %jit3A_105 = arith.constant 0.000000e+00 : f32
      %broadcast_in_dim3A_106 = vector.broadcast %jit3A_105 : f32 to vector<1024x128xf32>
      %select_n3A_107 = arith.select %eq3A_24, %slice3A_104, %broadcast_in_dim3A_106 : vector<1024x128xi1>, vector<1024x128xf32>
      %reduce_sum3A_108 = arith.constant dense<0.000000e+00> : vector<1024xf32>
      %reduce_sum3A_109 = vector.multi_reduction <add>, %select_n3A_107, %reduce_sum3A_108 [1] : vector<1024x128xf32> to vector<1024xf32>
      %broadcast_in_dim3A_110 = vector.shape_cast %reduce_sum3A_109 : vector<1024xf32> to vector<1024x1xf32>
      %slice3A_111 = vector.extract_strided_slice %bitcast_convert_type3A_19 {offsets = [0, 640], sizes = [1024, 128], strides = [1, 1]} : vector<1024x1024xf32> to vector<1024x128xf32>
      %jit3A_112 = arith.constant 0.000000e+00 : f32
      %broadcast_in_dim3A_113 = vector.broadcast %jit3A_112 : f32 to vector<1024x128xf32>
      %select_n3A_114 = arith.select %eq3A_24, %slice3A_111, %broadcast_in_dim3A_113 : vector<1024x128xi1>, vector<1024x128xf32>
      %reduce_sum3A_115 = arith.constant dense<0.000000e+00> : vector<1024xf32>
      %reduce_sum3A_116 = vector.multi_reduction <add>, %select_n3A_114, %reduce_sum3A_115 [1] : vector<1024x128xf32> to vector<1024xf32>
      %broadcast_in_dim3A_117 = vector.shape_cast %reduce_sum3A_116 : vector<1024xf32> to vector<1024x1xf32>
      %slice3A_118 = vector.extract_strided_slice %bitcast_convert_type3A_19 {offsets = [0, 768], sizes = [1024, 128], strides = [1, 1]} : vector<1024x1024xf32> to vector<1024x128xf32>
      %jit3A_119 = arith.constant 0.000000e+00 : f32
      %broadcast_in_dim3A_120 = vector.broadcast %jit3A_119 : f32 to vector<1024x128xf32>
      %select_n3A_121 = arith.select %eq3A_24, %slice3A_118, %broadcast_in_dim3A_120 : vector<1024x128xi1>, vector<1024x128xf32>
      %reduce_sum3A_122 = arith.constant dense<0.000000e+00> : vector<1024xf32>
      %reduce_sum3A_123 = vector.multi_reduction <add>, %select_n3A_121, %reduce_sum3A_122 [1] : vector<1024x128xf32> to vector<1024xf32>
      %broadcast_in_dim3A_124 = vector.shape_cast %reduce_sum3A_123 : vector<1024xf32> to vector<1024x1xf32>
      %slice3A_125 = vector.extract_strided_slice %bitcast_convert_type3A_19 {offsets = [0, 896], sizes = [1024, 128], strides = [1, 1]} : vector<1024x1024xf32> to vector<1024x128xf32>
      %jit3A_126 = arith.constant 0.000000e+00 : f32
      %broadcast_in_dim3A_127 = vector.broadcast %jit3A_126 : f32 to vector<1024x128xf32>
      %select_n3A_128 = arith.select %eq3A_24, %slice3A_125, %broadcast_in_dim3A_127 : vector<1024x128xi1>, vector<1024x128xf32>
      %reduce_sum3A_129 = arith.constant dense<0.000000e+00> : vector<1024xf32>
      %reduce_sum3A_130 = vector.multi_reduction <add>, %select_n3A_128, %reduce_sum3A_129 [1] : vector<1024x128xf32> to vector<1024xf32>
      %broadcast_in_dim3A_131 = vector.shape_cast %reduce_sum3A_130 : vector<1024xf32> to vector<1024x1xf32>
      %concatenate3A = tpu.concatenate %broadcast_in_dim3A_26, %broadcast_in_dim3A_33, %broadcast_in_dim3A_40, %broadcast_in_dim3A_47, %broadcast_in_dim3A_54, %broadcast_in_dim3A_61, %broadcast_in_dim3A_68, %broadcast_in_dim3A_75, %broadcast_in_dim3A_82, %broadcast_in_dim3A_89, %broadcast_in_dim3A_96, %broadcast_in_dim3A_103, %broadcast_in_dim3A_110, %broadcast_in_dim3A_117, %broadcast_in_dim3A_124, %broadcast_in_dim3A_131 in 1 : vector<1024x1xf32>, vector<1024x1xf32>, vector<1024x1xf32>, vector<1024x1xf32>, vector<1024x1xf32>, vector<1024x1xf32>, vector<1024x1xf32>, vector<1024x1xf32>, vector<1024x1xf32>, vector<1024x1xf32>, vector<1024x1xf32>, vector<1024x1xf32>, vector<1024x1xf32>, vector<1024x1xf32>, vector<1024x1xf32>, vector<1024x1xf32> -> vector<1024x16xf32>
      %convert_element_type3A_132 = arith.truncf %concatenate3A : vector<1024x16xf32> to vector<1024x16xbf16>
      %swap3A_133 = arith.constant 0 : index
      %swap3A_134 = arith.constant 0 : index
      %swap3A_135 = vector.load %arg5[%swap3A_133, %swap3A_134] : memref<1024x16xbf16, #tpu.memory_space<vmem>>, vector<1024x16xbf16>
      tpu.vector_store %arg5[%swap3A_133, %swap3A_134], %convert_element_type3A_132 {strides = array<i32>} : memref<1024x16xbf16, #tpu.memory_space<vmem>>, vector<1024x16xbf16>,
    } else {
    }
    %get3A = arith.constant 0 : index
    %get3A_2 = arith.constant 0 : index
    %get3A_3 = vector.load %arg1[%get3A, %get3A_2] : memref<16x2048xf32, #tpu.memory_space<vmem>>, vector<16x2048xf32>
    %convert_element_type3A_4 = arith.truncf %get3A_3 : vector<16x2048xf32> to vector<16x2048xbf16>
    %get3A_5 = arith.constant 0 : index
    %get3A_6 = arith.constant 0 : index
    %get3A_7 = vector.load %arg5[%get3A_5, %get3A_6] : memref<1024x16xbf16, #tpu.memory_space<vmem>>, vector<1024x16xbf16>
    %dot_general3A = arith.constant dense<0.000000e+00> : vector<2048x1024xf32>
    %dot_general3A_8 = tpu.matmul %convert_element_type3A_4, %get3A_7, %dot_general3A {dimension_numbers = #tpu.dot_dimension_numbers<[0], [1], [1], [0], [0, 1, 1, 0], [], []>, transpose_lhs_hint = false} : vector<16x2048xbf16>, vector<1024x16xbf16>, vector<2048x1024xf32> -> vector<2048x1024xf32>
    %swap3A = arith.constant 0 : index
    %swap3A_9 = arith.constant 0 : index
    %swap3A_10 = vector.load %arg4[%swap3A, %swap3A_9] : memref<2048x1024xf32, #tpu.memory_space<vmem>>, vector<2048x1024xf32>
    tpu.vector_store %arg4[%swap3A, %swap3A_9], %dot_general3A_8 {strides = array<i32>} : memref<2048x1024xf32, #tpu.memory_space<vmem>>, vector<2048x1024xf32>,
    return
  }
  func.func @transform_0(%arg0: i32) -> (i32, i32) {
    %c0_i32 = arith.constant 0 : i32
    %c0_i32_0 = arith.constant 0 : i32
    return %c0_i32, %arg0 : i32, i32
  }
  func.func @transform_1(%arg0: i32) -> (i32, i32) {
    %c0_i32 = arith.constant 0 : i32
    %c0_i32_0 = arith.constant 0 : i32
    %c0_i32_1 = arith.constant 0 : i32
    return %c0_i32, %c0_i32_0 : i32, i32
  }
  func.func @transform_2(%arg0: i32) -> (i32, i32) {
    %c0_i32 = arith.constant 0 : i32
    %c0_i32_0 = arith.constant 0 : i32
    %c0_i32_1 = arith.constant 0 : i32
    return %c0_i32, %c0_i32_0 : i32, i32
  }
  func.func @transform_3(%arg0: i32) -> (i32, i32) {
    %c0_i32 = arith.constant 0 : i32
    %c0_i32_0 = arith.constant 0 : i32
    return %arg0, %c0_i32 : i32, i32
  }
}

module attributes {stable_mosaic.version = 14 : i64} {
  func.func @_regroup_kernel(%arg0: i32, %arg1: memref<16x32768xf32, #tpu.memory_space<vmem>>, %arg2: memref<256x1024xi32, #tpu.memory_space<vmem>>) attributes {dimension_semantics = [#tpu.dimension_semantics<parallel>], iteration_bounds = array<i64: 4>, scalar_prefetch = 0 : i64, scratch_operands = 0 : i64, tpu.core_type = #tpu.core_type<tc>, window_params = [{transform_indices = @transform_0, window_bounds = array<i64: 16, 32768>}, {transform_indices = @transform_1, window_bounds = array<i64: 256, 1024>}]} {
    %get3A = arith.constant 0 : index
    %get3A_0 = arith.constant 0 : index
    %get3A_1 = vector.load %arg1[%get3A, %get3A_0] : memref<16x32768xf32, #tpu.memory_space<vmem>>, vector<16x32768xf32>
    %reshape3A = vector.shape_cast %get3A_1 : vector<16x32768xf32> to vector<16x256x128xf32>
    %transpose3A = tpu.transpose %reshape3A, [1, 0, 2] : vector<16x256x128xf32> -> vector<256x16x128xf32>
    %slice3A = vector.extract_strided_slice %transpose3A {offsets = [0, 0, 0], sizes = [256, 8, 128], strides = [1, 1, 1]} : vector<256x16x128xf32> to vector<256x8x128xf32>
    %bitcast_convert_type3A = tpu.bitcast %slice3A : vector<256x8x128xf32> -> vector<256x8x128xi32>
    %slice3A_2 = vector.extract_strided_slice %transpose3A {offsets = [0, 8, 0], sizes = [256, 8, 128], strides = [1, 1, 1]} : vector<256x16x128xf32> to vector<256x8x128xf32>
    %bitcast_convert_type3A_3 = tpu.bitcast %slice3A_2 : vector<256x8x128xf32> -> vector<256x8x128xi32>
    %add3A = arith.constant 32768 : i32
    %add3A_4 = vector.broadcast %add3A : i32 to vector<256x8x128xi32>
    %add3A_5 = arith.addi %bitcast_convert_type3A_3, %add3A_4 : vector<256x8x128xi32>
    %and3A = arith.constant -65536 : i32
    %and3A_6 = vector.broadcast %and3A : i32 to vector<256x8x128xi32>
    %and3A_7 = arith.andi %add3A_5, %and3A_6 : vector<256x8x128xi32>
    %add3A_8 = arith.constant 32768 : i32
    %add3A_9 = vector.broadcast %add3A_8 : i32 to vector<256x8x128xi32>
    %add3A_10 = arith.addi %bitcast_convert_type3A, %add3A_9 : vector<256x8x128xi32>
    %shift_right_logical3A = arith.constant 16 : i32
    %shift_right_logical3A_11 = vector.broadcast %shift_right_logical3A : i32 to vector<256x8x128xi32>
    %shift_right_logical3A_12 = arith.shrui %add3A_10, %shift_right_logical3A_11 : vector<256x8x128xi32>
    %or3A = arith.ori %and3A_7, %shift_right_logical3A_12 : vector<256x8x128xi32>
    %bitcast_convert_type3A_13 = tpu.bitcast %or3A : vector<256x8x128xi32> -> vector<256x8x128xi32>
    %reshape3A_14 = vector.shape_cast %bitcast_convert_type3A_13 : vector<256x8x128xi32> to vector<256x1024xi32>
    %swap3A = arith.constant 0 : index
    %swap3A_15 = arith.constant 0 : index
    %swap3A_16 = vector.load %arg2[%swap3A, %swap3A_15] : memref<256x1024xi32, #tpu.memory_space<vmem>>, vector<256x1024xi32>
    tpu.vector_store %arg2[%swap3A, %swap3A_15], %reshape3A_14 {strides = array<i32>} : memref<256x1024xi32, #tpu.memory_space<vmem>>, vector<256x1024xi32>,
    return
  }
  func.func @transform_0(%arg0: i32) -> (i32, i32) {
    %c0_i32 = arith.constant 0 : i32
    %c0_i32_0 = arith.constant 0 : i32
    return %c0_i32, %arg0 : i32, i32
  }
  func.func @transform_1(%arg0: i32) -> (i32, i32) {
    %c0_i32 = arith.constant 0 : i32
    %c0_i32_0 = arith.constant 0 : i32
    return %arg0, %c0_i32 : i32, i32
  }
}

</mosaic_0001>

<sc_bundles>
// kernel: kernel.5.cloned.1.call-start
scs
__scs_entry_jumppad:
0x0: {  	(pc) =	sbr.rel $0x88, $3  }
0x1: {  	(tag) =	ssettag $0x0;
	lr =	simm.s32 $0x1  }
0x2: {  	[smem:$0x3F9E] =	sst lr;
	_ =	strace $0xD0000000  }
0x3: {  	_ = 	snop  }
0x4: {  	_ = 	snop  }
0x5: {  	_ = 	snop  }
0x6: {  	_ = 	snop  }
0x7: {  	_ = 	snop  }
__scs_overlays_trampoline_lowered:
0x8: {  	[smem:$0x3FAD] =	sst s0  }
0x9: {  	[smem:$0x3FAE] =	sst s1  }
0xa: {  	[smem:$0x3FAF] =	sst s2  }
0xb: {  	[smem:$0x3FB0] =	sst s3  }
0xc: {  	[smem:$0x3FB1] =	sst s4  }
0xd: {  	[smem:$0x3FB2] =	sst s5  }
0xe: {  	[smem:$0x3FB3] =	sst s6  }
0xf: {  	[smem:$0x3FB4] =	sst s7  }
0x10: {  	[smem:$0x3FB5] =	sst s8  }
0x11: {  	[smem:$0x3FB6] =	sst s9;
	s0 =	simm.s32 @!p0 $0x0  }
0x12: {  	s1 =	sld [smem:$0x3F9C];
	s0 =	simm.s32 @p0 $0x1  }
0x13: {  	[smem:$0x3FB7] =	sst s0;
	s0 =	simm.s32 @!p1 $0x0  }
0x14: {  	s2 =	sld [smem:$0x3F9B];
	s0 =	simm.s32 @p1 $0x1  }
0x15: {  	[smem:$0x3FB8] =	sst s0;
	s0 =	simm.s32 @!p2 $0x0  }
0x16: {  	s3 =	sld [smem:$0x3FDB];
	s0 =	simm.s32 @p2 $0x1  }
0x17: {  	s4 =	simm.s32 $0x1BF5;
	[smem:$0x3FBA] =	sst s0  }
0x18: {  	s0 =	sld [smem:$0x3F9D];
	_ =	swait.ge [sflag:s4], $0x0  }
0x19: {  	s7 =	sld [smem:$0x3F9E]  }
0x1a: {  	s8 =	sadd.s32 $0xFFFFE003, lr  }
0x1b: {  	s9 =	sadd.s32 $0xFFFFFEF7, lr;
	s5 =	simm.s32 $0xFFFFFFFF;
	p2 =	slt.u32 s8, $0xFFFFF086  }
0x1c: {  	p1 =	slt.u32 s9, $0xF7A;
	s5 =	simm.s32 @!p2 $0x0  }
0x1d: {  	s5 =	simm.s32 @p1 $0x1;
	p0 =	seq.s32 s7, s2  }
0x1e: {  	s7 =	smul.u32 @!p0 $0xF7A, s2;
	p2 =	seq.s32 @!p0 s5, $0x0  }
0x1f: {  	s9 =	smul.u32 $0xF7A, s1;
	s8 =	simm.s32 @!p0 $0x1BF5;
	p2 =	por !p2, p0  }
0x20: {  	[sflag:s8] =	ssyncset.s32 @!p0 $0xFFFFF086;
	s6 =	sadd.s32 @!p0 s3, s7;
	s7 =	simm.s32 @!p0 $0x108  }
0x21: {  	s3 =	sadd.s32 s3, s9;
	s6 =	sadd.s32 @!p0 $0x88, s6;
	s7 =	simm.s32 @p2 $0x1082  }
0x22: {  	[simem:s7], [sflag:s8] =	dma.local @!p0 [hbm:s6], $0xF7A  }
0x23: {  	s9 =	sor.u32 $0xD0000000, s2;
	s6 =	simm.s32 $0x108;
	_ =	swait.ge @!p0 [sflag:s8], $0x0  }
0x24: {  	s3 =	sadd.s32 $0x88, s3;
	s6 =	simm.s32 @!p1 $0x1082;
	[sflag:s4] =	ssyncset.s32 $0xFFFFF086  }
0x25: {  	[simem:s6], [sflag:s4] =	dma.local [hbm:s3], $0xF7A  }
0x26: {  	[smem:$0x3F9E] =	sst s1;
	(tag) =	ssettag s2;
	_ =	strace s9  }
0x27: {  	s1 =	sld [smem:$0x3FAE]  }
0x28: {  	s2 =	sld [smem:$0x3FAF]  }
0x29: {  	s4 =	sld [smem:$0x3FB1]  }
0x2a: {  	p0 =	seq.s32 s5, $0x0;
	s5 =	sld [smem:$0x3FB2]  }
0x2b: {  	s6 =	sld [smem:$0x3FB3]  }
0x2c: {  	s7 =	sld [smem:$0x3FB4]  }
0x2d: {  	s3 =	simm.s32 $0x108;
	s8 =	sld [smem:$0x3FB5]  }
0x2e: {  	s3 =	simm.s32 @!p0 $0x1082;
	s9 =	sld [smem:$0x3FB6]  }
0x2f: {  	lr =	sadd.s32 s0, s3;
	s0 =	sld [smem:$0x3FAD]  }
0x30: {  	s3 =	sld [smem:$0x3FB0]  }
0x31: {  	[smem:$0x3FB9] =	sst s10  }
0x32: {  	s10 =	sld [smem:$0x3FB7];
	_ =	sdelay $0x3  }
0x33: {  	p0 =	seq.s32 s10, $0x1;
	s10 =	sld [smem:$0x3FB9];
	_ =	sdelay $0x3  }
0x34: {  	[smem:$0x3FB9] =	sst s10  }
0x35: {  	s10 =	sld [smem:$0x3FB8];
	_ =	sdelay $0x3  }
0x36: {  	p1 =	seq.s32 s10, $0x1;
	s10 =	sld [smem:$0x3FB9];
	_ =	sdelay $0x3  }
0x37: {  	[smem:$0x3FB9] =	sst s10  }
0x38: {  	s10 =	sld [smem:$0x3FBA]  }
0x39: {  	_ = 	snop;
	(pc) =	sbr.ind lr, $3  }
0x3a: {  	_ = 	snop  }
0x3b: {  	_ = 	snop  }
0x3c: {  	p2 =	seq.s32 s10, $0x1;
	s10 =	sld [smem:$0x3FB9]  }
0x3d: {  	_ =	shalt  }
0x3e: {  	_ =	shalt  }
0x3f: {  	_ =	shalt  }
0x40: {  	_ =	shalt  }
0x41: {  	_ =	shalt  }
0x42: {  	_ =	shalt  }
0x43: {  	_ =	shalt  }
0x44: {  	_ =	shalt  }
0x45: {  	_ =	shalt  }
0x46: {  	_ =	shalt  }
0x47: {  	_ =	shalt  }
0x48: {  	_ =	shalt  }
0x49: {  	_ =	shalt  }
0x4a: {  	_ =	shalt  }
0x4b: {  	_ =	shalt  }
0x4c: {  	_ =	shalt  }
0x4d: {  	_ =	shalt  }
0x4e: {  	_ =	shalt  }
0x4f: {  	_ =	shalt  }
0x50: {  	_ =	shalt  }
0x51: {  	_ =	shalt  }
0x52: {  	_ =	shalt  }
0x53: {  	_ =	shalt  }
0x54: {  	_ =	shalt  }
0x55: {  	_ =	shalt  }
0x56: {  	_ =	shalt  }
0x57: {  	_ =	shalt  }
0x58: {  	_ =	shalt  }
0x59: {  	_ =	shalt  }
0x5a: {  	_ =	shalt  }
0x5b: {  	_ =	shalt  }
0x5c: {  	_ =	shalt  }
0x5d: {  	_ =	shalt  }
0x5e: {  	_ =	shalt  }
0x5f: {  	_ =	shalt  }
0x60: {  	_ =	shalt  }
0x61: {  	_ =	shalt  }
0x62: {  	_ =	shalt  }
0x63: {  	_ =	shalt  }
0x64: {  	_ =	shalt  }
0x65: {  	_ =	shalt  }
0x66: {  	_ =	shalt  }
0x67: {  	_ =	shalt  }
0x68: {  	_ =	shalt  }
0x69: {  	_ =	shalt  }
0x6a: {  	_ =	shalt  }
0x6b: {  	_ =	shalt  }
0x6c: {  	_ =	shalt  }
0x6d: {  	_ =	shalt  }
0x6e: {  	_ =	shalt  }
0x6f: {  	_ =	shalt  }
0x70: {  	_ =	shalt  }
0x71: {  	_ =	shalt  }
0x72: {  	_ =	shalt  }
0x73: {  	_ =	shalt  }
0x74: {  	_ =	shalt  }
0x75: {  	_ =	shalt  }
0x76: {  	_ =	shalt  }
0x77: {  	_ =	shalt  }
0x78: {  	_ =	shalt  }
0x79: {  	_ =	shalt  }
0x7a: {  	_ =	shalt  }
0x7b: {  	_ =	shalt  }
0x7c: {  	_ =	shalt  }
0x7d: {  	_ =	shalt  }
0x7e: {  	_ =	shalt  }
0x7f: {  	_ =	shalt  }
0x80: {  	_ =	shalt  }
0x81: {  	_ =	shalt  }
0x82: {  	_ =	shalt  }
0x83: {  	_ =	shalt  }
0x84: {  	_ =	shalt  }
0x85: {  	_ =	shalt  }
0x86: {  	_ =	shalt  }
0x87: {  	_ =	shalt  }
.Lfunc_end0:
.L_simem_size_0:
called_computation_lowered:
.L_overlay_start_0:
0x88: {  	s2 =	sld [smem:$0x3FD9]  }
0x89: {  	s3 =	sld [smem:$0x3FFE];
	_ =	sdelay $0x1  }
0x8a: {  	s1 =	srdreg.scid  }
0x8b: {  	s0 =	sand.u32 $0x1, s1  }
0x8c: {  	s17 =	sshll.u32 s0, $0xA;
	s2 =	sadd.s32 s3, s2  }
0x8d: {  	s2 =	sadd.s32 s2, s17  }
0x8e: {  	[smem:$0x3FC5] =	sst s2  }
0x8f: {  	_ = 	snop  }
0x90: {  	s2 =	sld [smem:$0x3FD0];
	(tm) =	ssettm $0x1  }
0x91: {  	s18 =	sld [smem:$0x3FFB];
	_ =	sdelay $0x3  }
0x92: {  	_ =	strace s18  }
0x93: {  	s3 =	sld [smem:$0x3FFC];
	_ =	sdelay $0x3  }
0x94: {  	_ =	strace s3  }
0x95: {  	s3 =	sld [smem:$0x3FFD];
	_ =	sdelay $0x3  }
0x96: {  	_ =	strace s3  }
0x97: {  	_ =	strace $0x8FFFFFFF  }
0x98: {  	s19 =	sld [smem:$0x3FDB];
	_ =	sdelay $0x1  }
0x99: {  	s4 =	simm.s32 $_scs_section_size  }
0x9a: {  	s5 =	simm.s32 $_size__tile_overlayer_lowered;
	s6 =	simm.s32 $_tile_overlayer_lowered  }
0x9b: {  	s22 =	simm.s32 $0x1BFF;
	s21 =	sshll.u32 s6, $0x1;
	s3 =	sadd.s32 s4, s19  }
0x9c: {  	s7 =	simm.s32 $0x0;
	s20 =	sshll.u32 s5, $0x1;
	s5 =	sadd.s32 s21, s3  }
0x9d: {  	[timem:s7], [sflag:s22] =	dma.local [hbm:s5], s20  }
0x9e: {  	_ =	swait.ge [sflag:s22], s20  }
0x9f: {  	s4 =	ssub.s32 $0x0, s20;
	[sflag:s22] =	ssyncset.done $0x0  }
0xa0: {  	[sflag:s22] =	ssyncadd.s32 s4;
	_ =	sdelay $0x1  }
0xa1: {  	s23 =	simm.s32 $0x1B8B  }
0xa2: {  	_ =	swait.ge [sflag:s23], $0x1  }
0xa3: {  	[sflag:s23] =	ssyncset.done $0x0  }
0xa4: {  	s25 =	simm.s32 $0x1B8E;
	s24 =	sld [smem:$0x3FFE];
	[sflag:s23] =	ssyncadd.s32 $0xFFFFFFFF  }
0xa5: {  	s26 =	simm.s32 $execute0_lowered;
	[smem:$0x3FD2] =	sst s25  }
0xa6: {  	s5 =	sshll.u32 s26, $0x1;
	_ =	strace $0x80000046;
	[dreg:$0x1] =	wrdreg $0xFFFFFFFF  }
0xa7: {  	s28 =	simm.s32 $_size_execute0_lowered;
	s3 =	sadd.s32 s3, s5;
	[dreg:$0x0] =	wrdreg $0x0  }
0xa8: {  	s5 =	sshll.u32 s28, $0x1;
	[dreg:$0x2] =	wrdreg s3  }
0xa9: {  	[dreg:$0x3] =	wrdreg s5  }
0xaa: {  	[dreg:$0x4] =	wrdreg $0xC0  }
0xab: {  	_ =	task [dreg:s7], $0x5FFFF  }
0xac: {  	[dreg:$0x1] =	wrdreg $0xFFFFFFFF  }
0xad: {  	[dreg:$0x0] =	wrdreg $0x60  }
0xae: {  	[dreg:$0x2] =	wrdreg s2  }
0xaf: {  	[dreg:$0x3] =	wrdreg s24  }
0xb0: {  	[dreg:$0x4] =	wrdreg $0x9  }
0xb1: {  	_ =	task.clear_ibuf [dreg:s7], $0x5FFFF;
	_ =	strace $0x90000046  }
0xb2: {  	s29 =	simm.s32 $0x9;
	_ =	strace $0x80000048  }
0xb3: {  	_ =	swait.ge [sflag:s29], $0x1  }
0xb4: {  	[sflag:s29] =	ssyncadd.s32 $0xFFFFFFFF  }
0xb5: {  	_ =	strace $0x90000048  }
0xb6: {  	_ =	sfence  }
0xb7: {  	s30 =	sld [smem:$0x0];
	_ =	sdelay $0x2  }
0xb8: {  	s31 =	sshll.u32 s1, $0xD;
	s1 =	sshrl.u32 s1, $0x2  }
0xb9: {  	s3 =	sand.u32 $0x4000, s31;
	s1 =	sadd.s32 s1, s30  }
0xba: {  	s0 =	sor.u32 s3, s0;
	s1 =	sshll.u32 s1, $0x11  }
0xbb: {  	s0 =	sor.u32 s1, s0  }
0xbc: {  	s0 =	sadd.s32 $0x8F2B, s0  }
0xbd: {  	[sflag:s0] =	ssyncadd.remote.s32 $0x1  }
0xbe: {  	_ =	sfence.sel $0xFFFF  }
0xbf: {  	[dreg:$0x0] =	wrdreg $0xFFFFFFFF;
	(pc) =	sbr.abs _section_cstart, $3  }
0xc0: {  	[dreg:$0x1] =	wrdreg $0xFFFFFFFF  }
0xc1: {  	_ =	task.clear_ibuf [dreg:s7], $0x2FFFF;
	_ =	strace $0x9FFFFFFF  }
0xc2: {  	(tm) =	ssettm $0x7FFFFFFF  }
0xc3: {  	_ =	shalt  }
tec
execute0_lowered:
.L_overlay_start_1:
0x0: {  	(tag) =	ssettag $0x1  }
0x1: {  	s1 =	rddreg [dreg:$0x0]  }
0x2: {  	s4 =	rddreg [dreg:$0x1]  }
0x3: {  	s0 =	rddreg [dreg:$0x2];
	s5 =	srdreg.scid  }
0x4: {  	s3 =	simm.s32 $0x0;
	s2 =	stileid.u32;
	s11 =	simm.s32 $0x80  }
0x5: {  	s12 =	simm.s32 $0x880;
	s13 =	simm.s32 $0x1080;
	s14 =	simm.s32 $0x1880  }
0x6: {  	s15 =	simm.s32 $0x2080;
	s16 =	simm.s32 $0x2880;
	s17 =	simm.s32 $0x3080  }
0x7: {  	s18 =	simm.s32 $0x3880;
	s19 =	simm.s32 $0x4080;
	s20 =	simm.s32 $0x4880  }
0x8: {  	s21 =	simm.s32 $0x5080;
	s22 =	simm.s32 $0x5880;
	s23 =	simm.s32 $0x6080  }
0x9: {  	s24 =	simm.s32 $0x6880;
	s25 =	simm.s32 $0x7080;
	s26 =	simm.s32 $0x7880  }
0xa: {  	s28 =	simm.s32 $0x1;
	s5 =	sand.u32 $0x1, s5;
	[smem:$0x7FF] =	sst s3  }
0xb: {  	s6 =	sshll.u32 s2, $0x6;
	s7 =	sshll.u32 s5, $0x5;
	s5 =	ssub.s32 $0x2, s5  }
0xc: {  	_ =	strace $0x80000047;
	s6 =	sor.u32 s7, s6;
	s8 =	sshrl.u32 s5, $0x1  }
0xd: {  	s7 =	sshrl.u32 s6, $0x3;
	s6 =	sshll.u32 s6, $0x7;
	s10 =	ssub.s32 s5, s8  }
0xe: {  	v2 =	vlaneseq.u32;
	s5 =	sadd.s32 $0x100, s1;
	s7 =	sadd.s32 s7, s4;
	s9 =	sadd.s32 s6, s4  }
0xf: {  	vm0 =	vmmov $0xffff;
	v1 =	vshrl.u32 v2, $0x3;
	s6 =	sadd.s32 $0x200, s1;
	s4 =	sadd.s32 $0x1400, s7;
	s7 =	sadd.s32 $0x300, s1  }
0x10: {  	v0 =	vand.u32 $0x7, v2;
	v2 =	vor.u32 $0x8, v2;
	v1 =	vmul.u32 $0x8, v1;
	s8 =	sadd.s32 $0x1600, s9;
	s9 =	smax.u32 s10, $0x1;
	s10 =	simm.s32 $0x2  }
.LBB2_1:
0x11: {  	[tilespmem:s3], [sflag:$0x2] =	stream.linear.gather [hbm4b:s4+s3], $0x20, $0x38;
	[tilespmem:$0x8080] =	vst v63  }
0x12: {  	_ =	swait.ge [sflag:s10], $0x20  }
0x13: {  	[sflag:s10] =	ssyncset.done $0x0  }
0x14: {  	[sflag:s10] =	ssyncadd.s32 $0xFFFFFFE0  }
0x15: {  	v3 =	vld [tilespmem:$0x0];
	_ =	sdelay $0x4  }
0x16: {  	v4 =	vshll.u32 v3, $0x3  }
0x17: {  	v3 =	vand.u32 $0x7, v3;
	v4 =	vand.u32 $0xFFFFFFC0, v4  }
0x18: {  	v3 =	vor.u32 v3, v4  }
0x19: {  	v4 =	vperm.xlane v3, v0;
	_ =	sdelay $0x1  }
0x1a: {  	v4 =	vadd.s32 v1, v4;
	_ =	sdelay $0x4  }
0x1b: {  	[tilespmem:s11], [sflag:$0x1] =	stream.indirect_vreg.gather [hbm4b:s1+s3], $0x80, v4, vm0, $0xb8;
	[tilespmem:$0x8080] =	vst v63  }
0x1c: {  	v3 =	vperm.xlane v3, v2  }
0x1d: {  	[tilespmem:s12], [sflag:$0x1] =	stream.indirect_vreg.gather [hbm4b:s5+s3], $0x80, v4, vm0, $0xb8;
	[tilespmem:$0x8080] =	vst v63  }
0x1e: {  	v3 =	vadd.s32 v1, v3  }
0x1f: {  	[tilespmem:s13], [sflag:$0x1] =	stream.indirect_vreg.gather [hbm4b:s6+s3], $0x80, v4, vm0, $0xb8;
	[tilespmem:$0x8080] =	vst v63  }
0x20: {  	_ = 	snop  }
0x21: {  	[tilespmem:s14], [sflag:$0x1] =	stream.indirect_vreg.gather [hbm4b:s7+s3], $0x80, v4, vm0, $0xb8;
	[tilespmem:$0x8080] =	vst v63  }
0x22: {  	_ = 	snop  }
0x23: {  	[tilespmem:s15], [sflag:$0x1] =	stream.indirect_vreg.gather [hbm4b:s1+s3], $0x80, v3, vm0, $0xb8;
	[tilespmem:$0x8080] =	vst v63  }
0x24: {  	_ = 	snop  }
0x25: {  	[tilespmem:s16], [sflag:$0x1] =	stream.indirect_vreg.gather [hbm4b:s5+s3], $0x80, v3, vm0, $0xb8;
	[tilespmem:$0x8080] =	vst v63  }
0x26: {  	_ = 	snop  }
0x27: {  	[tilespmem:s17], [sflag:$0x1] =	stream.indirect_vreg.gather [hbm4b:s6+s3], $0x80, v3, vm0, $0xb8;
	[tilespmem:$0x8080] =	vst v63  }
0x28: {  	_ = 	snop  }
0x29: {  	[tilespmem:s18], [sflag:$0x1] =	stream.indirect_vreg.gather [hbm4b:s7+s3], $0x80, v3, vm0, $0xb8;
	[tilespmem:$0x8080] =	vst v63  }
0x2a: {  	v3 =	vld [tilespmem:$0x10];
	_ =	sdelay $0x4  }
0x2b: {  	v63 =	vshll.u32 v3, $0x3  }
0x2c: {  	v3 =	vand.u32 $0x7, v3;
	v4 =	vand.u32 $0xFFFFFFC0, v63  }
0x2d: {  	v3 =	vor.u32 v3, v4  }
0x2e: {  	v4 =	vperm.xlane v3, v0;
	_ =	sdelay $0x1  }
0x2f: {  	v4 =	vadd.s32 v1, v4;
	_ =	sdelay $0x4  }
0x30: {  	[tilespmem:s19], [sflag:$0x1] =	stream.indirect_vreg.gather [hbm4b:s1+s3], $0x80, v4, vm0, $0xb8;
	[tilespmem:$0x8080] =	vst v63  }
0x31: {  	v3 =	vperm.xlane v3, v2  }
0x32: {  	[tilespmem:s20], [sflag:$0x1] =	stream.indirect_vreg.gather [hbm4b:s5+s3], $0x80, v4, vm0, $0xb8;
	[tilespmem:$0x8080] =	vst v63  }
0x33: {  	v3 =	vadd.s32 v1, v3  }
0x34: {  	[tilespmem:s21], [sflag:$0x1] =	stream.indirect_vreg.gather [hbm4b:s6+s3], $0x80, v4, vm0, $0xb8;
	[tilespmem:$0x8080] =	vst v63  }
0x35: {  	_ = 	snop  }
0x36: {  	[tilespmem:s22], [sflag:$0x1] =	stream.indirect_vreg.gather [hbm4b:s7+s3], $0x80, v4, vm0, $0xb8;
	[tilespmem:$0x8080] =	vst v63  }
0x37: {  	_ = 	snop  }
0x38: {  	[tilespmem:s23], [sflag:$0x1] =	stream.indirect_vreg.gather [hbm4b:s1+s3], $0x80, v3, vm0, $0xb8;
	[tilespmem:$0x8080] =	vst v63  }
0x39: {  	_ = 	snop  }
0x3a: {  	[tilespmem:s24], [sflag:$0x1] =	stream.indirect_vreg.gather [hbm4b:s5+s3], $0x80, v3, vm0, $0xb8;
	[tilespmem:$0x8080] =	vst v63  }
0x3b: {  	_ = 	snop  }
0x3c: {  	[tilespmem:s25], [sflag:$0x1] =	stream.indirect_vreg.gather [hbm4b:s6+s3], $0x80, v3, vm0, $0xb8;
	[tilespmem:$0x8080] =	vst v63  }
0x3d: {  	_ = 	snop  }
0x3e: {  	[tilespmem:s26], [sflag:$0x1] =	stream.indirect_vreg.gather [hbm4b:s7+s3], $0x80, v3, vm0, $0xb8;
	[tilespmem:$0x8080] =	vst v63  }
0x3f: {  	_ =	swait.ge [sflag:s28], $0x8000  }
0x40: {  	p0 =	sne.s32 s9, $0x1;
	[sflag:s28] =	ssyncset.done $0x0  }
.Ltmp0:
0x41: {  	[sflag:s28] =	ssyncadd.s32 $0xFFFF8000;
	(pc) =	sbr.rel @p0 .LBB2_1-.Ltmp0, $4  }
0x42: {  	[hbm4b:s8+s3] =	stream.linear.scatter [tilespmem:s11], [sflag:$0x2], $0x8000, $0x38;
	[tilespmem:$0x8080] =	vst v63  }
0x43: {  	_ =	swait.ge [sflag:s10], $0x8000  }
0x44: {  	[sflag:s10] =	ssyncset.done $0x0  }
0x45: {  	s9 =	sadd.s32 $0xFFFFFFFF, s9;
	[sflag:s10] =	ssyncadd.s32 $0xFFFF8000  }
0x46: {  	_ =	sfence.sel $0x180000  }
0x47: {  	[bflag:$0x0] =	sbarrier.arrive $0xFFFF  }
0x48: {  	p0 =	sne.s32 s2, $0x0;
	_ =	strace $0x90000047  }
0x49: {  	s0 =	sadd.s32 @!p0 $0x100000, s0;
	[bflag:$0x2] =	sbarrier.arrive $0xFFFF  }
0x4a: {  	[sflag:s0] =	ssyncadd.tile.s32 @!p0 $0x1;
	_ =	shalt  }
.Lfunc_end2:
_tile_overlayer_lowered:
.L_overlay_start_2:
0x4b: {  	(tag) =	ssettag $0x2  }
0x4c: {  	s0 =	rddreg [dreg:$0x0];
	s2 =	stileid.u32  }
0x4d: {  	s1 =	rddreg [dreg:$0x1];
	p0 =	sne.s32 s2, $0x0  }
0x4e: {  	s3 =	rddreg [dreg:$0x2];
	[bflag:$0x3] =	sbarrier.arrive $0xFFFF;
	s2 =	simm.s32 @!p0 $0x1C02  }
0x4f: {  	[timem:s3], [sflag:s2] =	dma.local @!p0 [hbm:s0], s1  }
0x50: {  	s0 =	simm.s32 @!p0 $0x2  }
0x51: {  	_ =	swait.ge @!p0 [sflag:s0], s1  }
0x52: {  	s1 =	ssub.s32 @!p0 $0x0, s1;
	[sflag:s0] =	ssyncset.done @!p0 $0x0  }
0x53: {  	[sflag:s0] =	ssyncadd.s32 @!p0 s1  }
0x54: {  	[bflag:$0x3] =	sbarrier.arrive $0xFFFF  }
0x55: {  	_ =	shalt  }

</sc_bundles>
